<compile_context>
chip_gen: v7x
topology: tpu7x:2x2x1
jax: 0.10.2.dev20260603
libtpu: 0.0.44.dev20260713+nightly
codegen_flags: <defaults>
</compile_context>

<pallas_src>
import functools

import jax
import jax.numpy as jnp
from jax import lax
from jax.experimental import pallas as pl
from jax.experimental.pallas import tpu as pltpu
from jax.experimental.pallas import tpu_sc as plsc

_VOCAB = 4096
_BATCH = 2
_SEQLEN = 4096
_N = _BATCH * _SEQLEN
_D = _VOCAB
_NW = 32
_PER_W = _N // _NW
_K = 8
_NCHUNK = _PER_W // _K
_NBUF = 3
_NROUND = _NCHUNK // _NBUF
_NTAIL = _NCHUNK - _NROUND * _NBUF

_mesh = plsc.VectorSubcoreMesh(core_axis_name="c", subcore_axis_name="s")


@functools.partial(
    pl.kernel,
    mesh=_mesh,
    out_type=jax.ShapeDtypeStruct((_N, _D), jnp.float32),
    scratch_types=[
        pltpu.VMEM((_PER_W,), jnp.int32),
        pltpu.VMEM((_K, _D), jnp.float32),
        pltpu.VMEM((_K, _D), jnp.float32),
        pltpu.VMEM((_K, _D), jnp.float32),
        pltpu.SemaphoreType.DMA,
        pltpu.SemaphoreType.DMA,
        pltpu.SemaphoreType.DMA,
        pltpu.SemaphoreType.DMA,
        pltpu.SemaphoreType.DMA,
        pltpu.SemaphoreType.DMA,
    ],
)
def _gather_rows(seq_hbm, table_hbm, out_hbm, idx_v,
                 buf0, buf1, buf2, sg0, sg1, sg2, sw0, sw1, sw2):
    bufs = (buf0, buf1, buf2)
    sgs = (sg0, sg1, sg2)
    sws = (sw0, sw1, sw2)
    wid = lax.axis_index("s") * 2 + lax.axis_index("c")
    base = wid * _PER_W
    pltpu.sync_copy(seq_hbm.at[pl.ds(base, _PER_W)], idx_v)

    def gather_start(c, buf, sem):
        pltpu.async_copy(table_hbm.at[idx_v.at[pl.ds(c * _K, _K)]], buf, sem)

    def gather_wait(c, buf, sem):
        pltpu.make_async_copy(
            table_hbm.at[idx_v.at[pl.ds(c * _K, _K)]], buf, sem
        ).wait()

    def wb_start(c, buf, sem):
        pltpu.async_copy(buf, out_hbm.at[pl.ds(base + c * _K, _K)], sem)

    def wb_wait(c, buf, sem):
        pltpu.make_async_copy(buf, out_hbm.at[pl.ds(base + c * _K, _K)], sem).wait()

    for b in range(_NBUF):
        gather_start(b, bufs[b], sgs[b])

    def body(r, carry):
        c0 = r * _NBUF
        for b in range(_NBUF):
            c = c0 + b
            gather_wait(c, bufs[b], sgs[b])
            wb_start(c, bufs[b], sws[b])

            @pl.when(c + _NBUF < _NCHUNK)
            def _refill():
                wb_wait(c, bufs[b], sws[b])
                gather_start(c + _NBUF, bufs[b], sgs[b])

        return carry

    lax.fori_loop(0, _NROUND, body, 0)
    for t in range(_NTAIL):
        c = _NROUND * _NBUF + t
        b = c % _NBUF
        gather_wait(c, bufs[b], sgs[b])
        wb_start(c, bufs[b], sws[b])
    for c in range(_NCHUNK - _NBUF, _NCHUNK):
        b = c % _NBUF
        wb_wait(c, bufs[b], sws[b])


def kernel(seq, table):
    flat_idx = seq.astype(jnp.int32).reshape(_N)
    out = _gather_rows(flat_idx, table)
    return out.reshape(_BATCH, _SEQLEN, _D)

# --- scband reference (transcript-rebuilt; emitter-appended) ---
"""Pipeline reference for scband-bigram-lm-36782099923518 (READ-ONLY COPY).

The authoritative reference and input builder live on the scoring server;
editing this copy changes nothing except your own understanding.
"""

import jax, jax.numpy as jnp
import numpy as np

VOCAB = 4096
BATCH = 2
SEQLEN = 4096

def setup_inputs(seed: int = 0) -> dict:
    key = jax.random.key(seed)
    k_seq, k_tab = jax.random.split(key)
    seq = jax.random.randint(k_seq, (BATCH, SEQLEN), 0, VOCAB, dtype=jnp.int64 if jax.config.jax_enable_x64 else jnp.int32)
    # Embedding table: num_embeddings=VOCAB, embedding_size=VOCAB (Embed axis == Vocab axis in BigramLM)
    table = jax.random.normal(k_tab, (VOCAB, VOCAB), dtype=jnp.float32) / np.sqrt(VOCAB)
    return {"seq": seq, "table": table}

def reference(seq, table):
    # eqx.nn.Embedding lookup applied over the (batch, seq) index array:
    # logits[b, t, :] = table[seq[b, t], :]
    logits = jnp.take(table, seq, axis=0)
    return logits

if __name__ == "__main__":
    import jax
    _d = setup_inputs()
    print(jax.jit(kernel)(*tuple(_d.values())))

</pallas_src>

<mosaic_0001>
#map = affine_map<(d0, d1) -> (0)>
#map1 = affine_map<(d0, d1) -> (0, 0)>
module attributes {stable_mosaic.version = 14 : i64} {
  func.func @_gather_rows(%arg0: i32, %arg1: i32, %arg2: memref<8192xi32, #tpu.memory_space<hbm>>, %arg3: memref<4096x4096xf32, #tpu.memory_space<hbm>>, %arg4: memref<8192x4096xf32, #tpu.memory_space<hbm>>, %arg5: memref<256xi32, #tpu.memory_space<vmem>>, %arg6: memref<8x4096xf32, #tpu.memory_space<vmem>>, %arg7: memref<8x4096xf32, #tpu.memory_space<vmem>>, %arg8: memref<8x4096xf32, #tpu.memory_space<vmem>>, %arg9: memref<!tpu.dma_semaphore, #tpu.memory_space<semaphore_mem>>, %arg10: memref<!tpu.dma_semaphore, #tpu.memory_space<semaphore_mem>>, %arg11: memref<!tpu.dma_semaphore, #tpu.memory_space<semaphore_mem>>, %arg12: memref<!tpu.dma_semaphore, #tpu.memory_space<semaphore_mem>>, %arg13: memref<!tpu.dma_semaphore, #tpu.memory_space<semaphore_mem>>, %arg14: memref<!tpu.dma_semaphore, #tpu.memory_space<semaphore_mem>>) attributes {dimension_semantics = [#tpu.dimension_semantics<core_parallel>, #tpu.dimension_semantics<subcore_parallel>], iteration_bounds = array<i64: 2, 16>, scalar_prefetch = 0 : i64, scratch_operands = 10 : i64, tpu.core_type = #tpu.core_type<sc_vector_subcore>, window_params = [{transform_indices = #map}, {transform_indices = #map1}, {transform_indices = #map1}]} {
    %mul3A = arith.constant 2 : i32
    %mul3A_0 = arith.muli %arg1, %mul3A : i32
    %add3A = arith.addi %mul3A_0, %arg0 : i32
    %mul3A_1 = arith.constant 256 : i32
    %mul3A_2 = arith.muli %add3A, %mul3A_1 : i32
    "tpu.region"() ({
      %run_scoped3A = tpu.sem_alloc : memref<!tpu.dma_semaphore, #tpu.memory_space<semaphore_mem>>
      %dma_start3A_61 = tpu.memref_slice %arg2[%mul3A_2] : memref<8192xi32, #tpu.memory_space<hbm>> -> memref<256xi32, #tpu.memory_space<hbm>>
      %dma_start3A_62 = tpu.memref_slice %arg2[%mul3A_2] : memref<8192xi32, #tpu.memory_space<hbm>> -> memref<256xi32, #tpu.memory_space<hbm>>
      tpu.enqueue_dma source(%dma_start3A_62 : memref<256xi32, #tpu.memory_space<hbm>>) target(%arg5 : memref<256xi32, #tpu.memory_space<vmem>>) target_semaphore(%run_scoped3A : memref<!tpu.dma_semaphore, #tpu.memory_space<semaphore_mem>>)
      %dma_wait3A_63 = tpu.memref_slice %arg2[%mul3A_2] : memref<8192xi32, #tpu.memory_space<hbm>> -> memref<256xi32, #tpu.memory_space<hbm>>
      %dma_wait3A_64 = tpu.memref_slice %arg2[%mul3A_2] : memref<8192xi32, #tpu.memory_space<hbm>> -> memref<256xi32, #tpu.memory_space<hbm>>
      tpu.wait_dma2 semaphore(%run_scoped3A : memref<!tpu.dma_semaphore, #tpu.memory_space<semaphore_mem>>) src(%dma_wait3A_64 : memref<256xi32, #tpu.memory_space<hbm>>) dst(%arg5 : memref<256xi32, #tpu.memory_space<vmem>>)
      tpu.yield
    }) : () -> ()
    %dma_start3A = arith.constant 0 : i32
    %dma_start3A_3 = tpu.memref_slice %arg5[%dma_start3A] : memref<256xi32, #tpu.memory_space<vmem>> -> memref<8xi32, #tpu.memory_space<vmem>>
    %dma_start3A_4 = arith.constant 0 : i32
    %dma_start3A_5 = arith.constant 0 : i32
    %dma_start3A_6 = tpu.memref_slice %arg3[%dma_start3A_4, %dma_start3A_5] : memref<4096x4096xf32, #tpu.memory_space<hbm>> -> memref<4096x4096xf32, #tpu.memory_space<hbm>>
    tpu.enqueue_indirect_dma source(%dma_start3A_6 : memref<4096x4096xf32, #tpu.memory_space<hbm>>) target(%arg6 : memref<8x4096xf32, #tpu.memory_space<vmem>>) offsets(%dma_start3A_3 : memref<8xi32, #tpu.memory_space<vmem>>) semaphore(%arg9 : memref<!tpu.dma_semaphore, #tpu.memory_space<semaphore_mem>>)
    %dma_start3A_7 = arith.constant 8 : i32
    %dma_start3A_8 = tpu.memref_slice %arg5[%dma_start3A_7] : memref<256xi32, #tpu.memory_space<vmem>> -> memref<8xi32, #tpu.memory_space<vmem>>
    %dma_start3A_9 = arith.constant 0 : i32
    %dma_start3A_10 = arith.constant 0 : i32
    %dma_start3A_11 = tpu.memref_slice %arg3[%dma_start3A_9, %dma_start3A_10] : memref<4096x4096xf32, #tpu.memory_space<hbm>> -> memref<4096x4096xf32, #tpu.memory_space<hbm>>
    tpu.enqueue_indirect_dma source(%dma_start3A_11 : memref<4096x4096xf32, #tpu.memory_space<hbm>>) target(%arg7 : memref<8x4096xf32, #tpu.memory_space<vmem>>) offsets(%dma_start3A_8 : memref<8xi32, #tpu.memory_space<vmem>>) semaphore(%arg10 : memref<!tpu.dma_semaphore, #tpu.memory_space<semaphore_mem>>)
    %dma_start3A_12 = arith.constant 16 : i32
    %dma_start3A_13 = tpu.memref_slice %arg5[%dma_start3A_12] : memref<256xi32, #tpu.memory_space<vmem>> -> memref<8xi32, #tpu.memory_space<vmem>>
    %dma_start3A_14 = arith.constant 0 : i32
    %dma_start3A_15 = arith.constant 0 : i32
    %dma_start3A_16 = tpu.memref_slice %arg3[%dma_start3A_14, %dma_start3A_15] : memref<4096x4096xf32, #tpu.memory_space<hbm>> -> memref<4096x4096xf32, #tpu.memory_space<hbm>>
    tpu.enqueue_indirect_dma source(%dma_start3A_16 : memref<4096x4096xf32, #tpu.memory_space<hbm>>) target(%arg8 : memref<8x4096xf32, #tpu.memory_space<vmem>>) offsets(%dma_start3A_13 : memref<8xi32, #tpu.memory_space<vmem>>) semaphore(%arg11 : memref<!tpu.dma_semaphore, #tpu.memory_space<semaphore_mem>>)
    %scan3A = arith.constant 0 : i32
    %scan3A_17 = arith.constant 0 : i32
    %scan3A_18 = arith.constant 10 : i32
    %scan3A_19 = arith.addi %scan3A_17, %scan3A_18 : i32
    %scan3A_20 = arith.constant 1 : i32
    scf.for %scan3A_61 = %scan3A_17 to %scan3A_19 step %scan3A_20  : i32 {
      %mul3A_62 = arith.constant 3 : i32
      %mul3A_63 = arith.muli %scan3A_61, %mul3A_62 : i32
      %add3A_64 = arith.constant 0 : i32
      %add3A_65 = arith.addi %mul3A_63, %add3A_64 : i32
      %mul3A_66 = arith.constant 8 : i32
      %mul3A_67 = arith.muli %add3A_65, %mul3A_66 : i32
      %dma_wait3A_68 = tpu.memref_slice %arg5[%mul3A_67] : memref<256xi32, #tpu.memory_space<vmem>> -> memref<8xi32, #tpu.memory_space<vmem>>
      %dma_wait3A_69 = arith.constant 0 : i32
      %dma_wait3A_70 = arith.constant 0 : i32
      %dma_wait3A_71 = tpu.memref_slice %arg3[%dma_wait3A_69, %dma_wait3A_70] : memref<4096x4096xf32, #tpu.memory_space<hbm>> -> memref<4096x4096xf32, #tpu.memory_space<hbm>>
      tpu.wait_indirect_dma semaphore(%arg9 : memref<!tpu.dma_semaphore, #tpu.memory_space<semaphore_mem>>) src(%dma_wait3A_71 : memref<4096x4096xf32, #tpu.memory_space<hbm>>) dst(%arg6 : memref<8x4096xf32, #tpu.memory_space<vmem>>)
      %mul3A_72 = arith.constant 8 : i32
      %mul3A_73 = arith.muli %add3A_65, %mul3A_72 : i32
      %add3A_74 = arith.addi %mul3A_2, %mul3A_73 : i32
      %dma_start3A_75 = arith.constant 0 : i32
      %dma_start3A_76 = tpu.memref_slice %arg4[%add3A_74, %dma_start3A_75] : memref<8192x4096xf32, #tpu.memory_space<hbm>> -> memref<8x4096xf32, #tpu.memory_space<hbm>>
      %dma_start3A_77 = arith.constant 0 : i32
      %dma_start3A_78 = tpu.memref_slice %arg4[%add3A_74, %dma_start3A_77] : memref<8192x4096xf32, #tpu.memory_space<hbm>> -> memref<8x4096xf32, #tpu.memory_space<hbm>>
      tpu.enqueue_dma source(%arg6 : memref<8x4096xf32, #tpu.memory_space<vmem>>) target(%dma_start3A_78 : memref<8x4096xf32, #tpu.memory_space<hbm>>) target_semaphore(%arg12 : memref<!tpu.dma_semaphore, #tpu.memory_space<semaphore_mem>>)
      %add3A_79 = arith.constant 3 : i32
      %add3A_80 = arith.addi %add3A_65, %add3A_79 : i32
      %lt3A = arith.constant 32 : i32
      %lt3A_81 = arith.cmpi slt, %add3A_80, %lt3A : i32
      %convert_element_type3A = arith.extui %lt3A_81 : i1 to i32
      %cond3A = arith.constant 0 : i32
      %cond3A_82 = arith.cmpi ne, %convert_element_type3A, %cond3A : i32
      scf.if %cond3A_82 {
        %mul3A_127 = arith.constant 8 : i32
        %mul3A_128 = arith.muli %add3A_65, %mul3A_127 : i32
        %add3A_129 = arith.addi %mul3A_2, %mul3A_128 : i32
        %dma_wait3A_130 = arith.constant 0 : i32
        %dma_wait3A_131 = tpu.memref_slice %arg4[%add3A_129, %dma_wait3A_130] : memref<8192x4096xf32, #tpu.memory_space<hbm>> -> memref<8x4096xf32, #tpu.memory_space<hbm>>
        %dma_wait3A_132 = arith.constant 0 : i32
        %dma_wait3A_133 = tpu.memref_slice %arg4[%add3A_129, %dma_wait3A_132] : memref<8192x4096xf32, #tpu.memory_space<hbm>> -> memref<8x4096xf32, #tpu.memory_space<hbm>>
        tpu.wait_dma2 semaphore(%arg12 : memref<!tpu.dma_semaphore, #tpu.memory_space<semaphore_mem>>) src(%arg6 : memref<8x4096xf32, #tpu.memory_space<vmem>>) dst(%dma_wait3A_133 : memref<8x4096xf32, #tpu.memory_space<hbm>>)
        %add3A_134 = arith.constant 3 : i32
        %add3A_135 = arith.addi %add3A_65, %add3A_134 : i32
        %mul3A_136 = arith.constant 8 : i32
        %mul3A_137 = arith.muli %add3A_135, %mul3A_136 : i32
        %dma_start3A_138 = tpu.memref_slice %arg5[%mul3A_137] : memref<256xi32, #tpu.memory_space<vmem>> -> memref<8xi32, #tpu.memory_space<vmem>>
        %dma_start3A_139 = arith.constant 0 : i32
        %dma_start3A_140 = arith.constant 0 : i32
        %dma_start3A_141 = tpu.memref_slice %arg3[%dma_start3A_139, %dma_start3A_140] : memref<4096x4096xf32, #tpu.memory_space<hbm>> -> memref<4096x4096xf32, #tpu.memory_space<hbm>>
        tpu.enqueue_indirect_dma source(%dma_start3A_141 : memref<4096x4096xf32, #tpu.memory_space<hbm>>) target(%arg6 : memref<8x4096xf32, #tpu.memory_space<vmem>>) offsets(%dma_start3A_138 : memref<8xi32, #tpu.memory_space<vmem>>) semaphore(%arg9 : memref<!tpu.dma_semaphore, #tpu.memory_space<semaphore_mem>>)
      } else {
      }
      %add3A_83 = arith.constant 1 : i32
      %add3A_84 = arith.addi %mul3A_63, %add3A_83 : i32
      %mul3A_85 = arith.constant 8 : i32
      %mul3A_86 = arith.muli %add3A_84, %mul3A_85 : i32
      %dma_wait3A_87 = tpu.memref_slice %arg5[%mul3A_86] : memref<256xi32, #tpu.memory_space<vmem>> -> memref<8xi32, #tpu.memory_space<vmem>>
      %dma_wait3A_88 = arith.constant 0 : i32
      %dma_wait3A_89 = arith.constant 0 : i32
      %dma_wait3A_90 = tpu.memref_slice %arg3[%dma_wait3A_88, %dma_wait3A_89] : memref<4096x4096xf32, #tpu.memory_space<hbm>> -> memref<4096x4096xf32, #tpu.memory_space<hbm>>
      tpu.wait_indirect_dma semaphore(%arg10 : memref<!tpu.dma_semaphore, #tpu.memory_space<semaphore_mem>>) src(%dma_wait3A_90 : memref<4096x4096xf32, #tpu.memory_space<hbm>>) dst(%arg7 : memref<8x4096xf32, #tpu.memory_space<vmem>>)
      %mul3A_91 = arith.constant 8 : i32
      %mul3A_92 = arith.muli %add3A_84, %mul3A_91 : i32
      %add3A_93 = arith.addi %mul3A_2, %mul3A_92 : i32
      %dma_start3A_94 = arith.constant 0 : i32
      %dma_start3A_95 = tpu.memref_slice %arg4[%add3A_93, %dma_start3A_94] : memref<8192x4096xf32, #tpu.memory_space<hbm>> -> memref<8x4096xf32, #tpu.memory_space<hbm>>
      %dma_start3A_96 = arith.constant 0 : i32
      %dma_start3A_97 = tpu.memref_slice %arg4[%add3A_93, %dma_start3A_96] : memref<8192x4096xf32, #tpu.memory_space<hbm>> -> memref<8x4096xf32, #tpu.memory_space<hbm>>
      tpu.enqueue_dma source(%arg7 : memref<8x4096xf32, #tpu.memory_space<vmem>>) target(%dma_start3A_97 : memref<8x4096xf32, #tpu.memory_space<hbm>>) target_semaphore(%arg13 : memref<!tpu.dma_semaphore, #tpu.memory_space<semaphore_mem>>)
      %add3A_98 = arith.constant 3 : i32
      %add3A_99 = arith.addi %add3A_84, %add3A_98 : i32
      %lt3A_100 = arith.constant 32 : i32
      %lt3A_101 = arith.cmpi slt, %add3A_99, %lt3A_100 : i32
      %convert_element_type3A_102 = arith.extui %lt3A_101 : i1 to i32
      %cond3A_103 = arith.constant 0 : i32
      %cond3A_104 = arith.cmpi ne, %convert_element_type3A_102, %cond3A_103 : i32
      scf.if %cond3A_104 {
        %mul3A_127 = arith.constant 8 : i32
        %mul3A_128 = arith.muli %add3A_84, %mul3A_127 : i32
        %add3A_129 = arith.addi %mul3A_2, %mul3A_128 : i32
        %dma_wait3A_130 = arith.constant 0 : i32
        %dma_wait3A_131 = tpu.memref_slice %arg4[%add3A_129, %dma_wait3A_130] : memref<8192x4096xf32, #tpu.memory_space<hbm>> -> memref<8x4096xf32, #tpu.memory_space<hbm>>
        %dma_wait3A_132 = arith.constant 0 : i32
        %dma_wait3A_133 = tpu.memref_slice %arg4[%add3A_129, %dma_wait3A_132] : memref<8192x4096xf32, #tpu.memory_space<hbm>> -> memref<8x4096xf32, #tpu.memory_space<hbm>>
        tpu.wait_dma2 semaphore(%arg13 : memref<!tpu.dma_semaphore, #tpu.memory_space<semaphore_mem>>) src(%arg7 : memref<8x4096xf32, #tpu.memory_space<vmem>>) dst(%dma_wait3A_133 : memref<8x4096xf32, #tpu.memory_space<hbm>>)
        %add3A_134 = arith.constant 3 : i32
        %add3A_135 = arith.addi %add3A_84, %add3A_134 : i32
        %mul3A_136 = arith.constant 8 : i32
        %mul3A_137 = arith.muli %add3A_135, %mul3A_136 : i32
        %dma_start3A_138 = tpu.memref_slice %arg5[%mul3A_137] : memref<256xi32, #tpu.memory_space<vmem>> -> memref<8xi32, #tpu.memory_space<vmem>>
        %dma_start3A_139 = arith.constant 0 : i32
        %dma_start3A_140 = arith.constant 0 : i32
        %dma_start3A_141 = tpu.memref_slice %arg3[%dma_start3A_139, %dma_start3A_140] : memref<4096x4096xf32, #tpu.memory_space<hbm>> -> memref<4096x4096xf32, #tpu.memory_space<hbm>>
        tpu.enqueue_indirect_dma source(%dma_start3A_141 : memref<4096x4096xf32, #tpu.memory_space<hbm>>) target(%arg7 : memref<8x4096xf32, #tpu.memory_space<vmem>>) offsets(%dma_start3A_138 : memref<8xi32, #tpu.memory_space<vmem>>) semaphore(%arg10 : memref<!tpu.dma_semaphore, #tpu.memory_space<semaphore_mem>>)
      } else {
      }
      %add3A_105 = arith.constant 2 : i32
      %add3A_106 = arith.addi %mul3A_63, %add3A_105 : i32
      %mul3A_107 = arith.constant 8 : i32
      %mul3A_108 = arith.muli %add3A_106, %mul3A_107 : i32
      %dma_wait3A_109 = tpu.memref_slice %arg5[%mul3A_108] : memref<256xi32, #tpu.memory_space<vmem>> -> memref<8xi32, #tpu.memory_space<vmem>>
      %dma_wait3A_110 = arith.constant 0 : i32
      %dma_wait3A_111 = arith.constant 0 : i32
      %dma_wait3A_112 = tpu.memref_slice %arg3[%dma_wait3A_110, %dma_wait3A_111] : memref<4096x4096xf32, #tpu.memory_space<hbm>> -> memref<4096x4096xf32, #tpu.memory_space<hbm>>
      tpu.wait_indirect_dma semaphore(%arg11 : memref<!tpu.dma_semaphore, #tpu.memory_space<semaphore_mem>>) src(%dma_wait3A_112 : memref<4096x4096xf32, #tpu.memory_space<hbm>>) dst(%arg8 : memref<8x4096xf32, #tpu.memory_space<vmem>>)
      %mul3A_113 = arith.constant 8 : i32
      %mul3A_114 = arith.muli %add3A_106, %mul3A_113 : i32
      %add3A_115 = arith.addi %mul3A_2, %mul3A_114 : i32
      %dma_start3A_116 = arith.constant 0 : i32
      %dma_start3A_117 = tpu.memref_slice %arg4[%add3A_115, %dma_start3A_116] : memref<8192x4096xf32, #tpu.memory_space<hbm>> -> memref<8x4096xf32, #tpu.memory_space<hbm>>
      %dma_start3A_118 = arith.constant 0 : i32
      %dma_start3A_119 = tpu.memref_slice %arg4[%add3A_115, %dma_start3A_118] : memref<8192x4096xf32, #tpu.memory_space<hbm>> -> memref<8x4096xf32, #tpu.memory_space<hbm>>
      tpu.enqueue_dma source(%arg8 : memref<8x4096xf32, #tpu.memory_space<vmem>>) target(%dma_start3A_119 : memref<8x4096xf32, #tpu.memory_space<hbm>>) target_semaphore(%arg14 : memref<!tpu.dma_semaphore, #tpu.memory_space<semaphore_mem>>)
      %add3A_120 = arith.constant 3 : i32
      %add3A_121 = arith.addi %add3A_106, %add3A_120 : i32
      %lt3A_122 = arith.constant 32 : i32
      %lt3A_123 = arith.cmpi slt, %add3A_121, %lt3A_122 : i32
      %convert_element_type3A_124 = arith.extui %lt3A_123 : i1 to i32
      %cond3A_125 = arith.constant 0 : i32
      %cond3A_126 = arith.cmpi ne, %convert_element_type3A_124, %cond3A_125 : i32
      scf.if %cond3A_126 {
        %mul3A_127 = arith.constant 8 : i32
        %mul3A_128 = arith.muli %add3A_106, %mul3A_127 : i32
        %add3A_129 = arith.addi %mul3A_2, %mul3A_128 : i32
        %dma_wait3A_130 = arith.constant 0 : i32
        %dma_wait3A_131 = tpu.memref_slice %arg4[%add3A_129, %dma_wait3A_130] : memref<8192x4096xf32, #tpu.memory_space<hbm>> -> memref<8x4096xf32, #tpu.memory_space<hbm>>
        %dma_wait3A_132 = arith.constant 0 : i32
        %dma_wait3A_133 = tpu.memref_slice %arg4[%add3A_129, %dma_wait3A_132] : memref<8192x4096xf32, #tpu.memory_space<hbm>> -> memref<8x4096xf32, #tpu.memory_space<hbm>>
        tpu.wait_dma2 semaphore(%arg14 : memref<!tpu.dma_semaphore, #tpu.memory_space<semaphore_mem>>) src(%arg8 : memref<8x4096xf32, #tpu.memory_space<vmem>>) dst(%dma_wait3A_133 : memref<8x4096xf32, #tpu.memory_space<hbm>>)
        %add3A_134 = arith.constant 3 : i32
        %add3A_135 = arith.addi %add3A_106, %add3A_134 : i32
        %mul3A_136 = arith.constant 8 : i32
        %mul3A_137 = arith.muli %add3A_135, %mul3A_136 : i32
        %dma_start3A_138 = tpu.memref_slice %arg5[%mul3A_137] : memref<256xi32, #tpu.memory_space<vmem>> -> memref<8xi32, #tpu.memory_space<vmem>>
        %dma_start3A_139 = arith.constant 0 : i32
        %dma_start3A_140 = arith.constant 0 : i32
        %dma_start3A_141 = tpu.memref_slice %arg3[%dma_start3A_139, %dma_start3A_140] : memref<4096x4096xf32, #tpu.memory_space<hbm>> -> memref<4096x4096xf32, #tpu.memory_space<hbm>>
        tpu.enqueue_indirect_dma source(%dma_start3A_141 : memref<4096x4096xf32, #tpu.memory_space<hbm>>) target(%arg8 : memref<8x4096xf32, #tpu.memory_space<vmem>>) offsets(%dma_start3A_138 : memref<8xi32, #tpu.memory_space<vmem>>) semaphore(%arg11 : memref<!tpu.dma_semaphore, #tpu.memory_space<semaphore_mem>>)
      } else {
      }
    }
    %scan3A_21 = arith.constant 10 : i32
    %dma_wait3A = arith.constant 240 : i32
    %dma_wait3A_22 = tpu.memref_slice %arg5[%dma_wait3A] : memref<256xi32, #tpu.memory_space<vmem>> -> memref<8xi32, #tpu.memory_space<vmem>>
    %dma_wait3A_23 = arith.constant 0 : i32
    %dma_wait3A_24 = arith.constant 0 : i32
    %dma_wait3A_25 = tpu.memref_slice %arg3[%dma_wait3A_23, %dma_wait3A_24] : memref<4096x4096xf32, #tpu.memory_space<hbm>> -> memref<4096x4096xf32, #tpu.memory_space<hbm>>
    tpu.wait_indirect_dma semaphore(%arg9 : memref<!tpu.dma_semaphore, #tpu.memory_space<semaphore_mem>>) src(%dma_wait3A_25 : memref<4096x4096xf32, #tpu.memory_space<hbm>>) dst(%arg6 : memref<8x4096xf32, #tpu.memory_space<vmem>>)
    %add3A_26 = arith.constant 240 : i32
    %add3A_27 = arith.addi %mul3A_2, %add3A_26 : i32
    %dma_start3A_28 = arith.constant 0 : i32
    %dma_start3A_29 = tpu.memref_slice %arg4[%add3A_27, %dma_start3A_28] : memref<8192x4096xf32, #tpu.memory_space<hbm>> -> memref<8x4096xf32, #tpu.memory_space<hbm>>
    %dma_start3A_30 = arith.constant 0 : i32
    %dma_start3A_31 = tpu.memref_slice %arg4[%add3A_27, %dma_start3A_30] : memref<8192x4096xf32, #tpu.memory_space<hbm>> -> memref<8x4096xf32, #tpu.memory_space<hbm>>
    tpu.enqueue_dma source(%arg6 : memref<8x4096xf32, #tpu.memory_space<vmem>>) target(%dma_start3A_31 : memref<8x4096xf32, #tpu.memory_space<hbm>>) target_semaphore(%arg12 : memref<!tpu.dma_semaphore, #tpu.memory_space<semaphore_mem>>)
    %dma_wait3A_32 = arith.constant 248 : i32
    %dma_wait3A_33 = tpu.memref_slice %arg5[%dma_wait3A_32] : memref<256xi32, #tpu.memory_space<vmem>> -> memref<8xi32, #tpu.memory_space<vmem>>
    %dma_wait3A_34 = arith.constant 0 : i32
    %dma_wait3A_35 = arith.constant 0 : i32
    %dma_wait3A_36 = tpu.memref_slice %arg3[%dma_wait3A_34, %dma_wait3A_35] : memref<4096x4096xf32, #tpu.memory_space<hbm>> -> memref<4096x4096xf32, #tpu.memory_space<hbm>>
    tpu.wait_indirect_dma semaphore(%arg10 : memref<!tpu.dma_semaphore, #tpu.memory_space<semaphore_mem>>) src(%dma_wait3A_36 : memref<4096x4096xf32, #tpu.memory_space<hbm>>) dst(%arg7 : memref<8x4096xf32, #tpu.memory_space<vmem>>)
    %add3A_37 = arith.constant 248 : i32
    %add3A_38 = arith.addi %mul3A_2, %add3A_37 : i32
    %dma_start3A_39 = arith.constant 0 : i32
    %dma_start3A_40 = tpu.memref_slice %arg4[%add3A_38, %dma_start3A_39] : memref<8192x4096xf32, #tpu.memory_space<hbm>> -> memref<8x4096xf32, #tpu.memory_space<hbm>>
    %dma_start3A_41 = arith.constant 0 : i32
    %dma_start3A_42 = tpu.memref_slice %arg4[%add3A_38, %dma_start3A_41] : memref<8192x4096xf32, #tpu.memory_space<hbm>> -> memref<8x4096xf32, #tpu.memory_space<hbm>>
    tpu.enqueue_dma source(%arg7 : memref<8x4096xf32, #tpu.memory_space<vmem>>) target(%dma_start3A_42 : memref<8x4096xf32, #tpu.memory_space<hbm>>) target_semaphore(%arg13 : memref<!tpu.dma_semaphore, #tpu.memory_space<semaphore_mem>>)
    %add3A_43 = arith.constant 232 : i32
    %add3A_44 = arith.addi %mul3A_2, %add3A_43 : i32
    %dma_wait3A_45 = arith.constant 0 : i32
    %dma_wait3A_46 = tpu.memref_slice %arg4[%add3A_44, %dma_wait3A_45] : memref<8192x4096xf32, #tpu.memory_space<hbm>> -> memref<8x4096xf32, #tpu.memory_space<hbm>>
    %dma_wait3A_47 = arith.constant 0 : i32
    %dma_wait3A_48 = tpu.memref_slice %arg4[%add3A_44, %dma_wait3A_47] : memref<8192x4096xf32, #tpu.memory_space<hbm>> -> memref<8x4096xf32, #tpu.memory_space<hbm>>
    tpu.wait_dma2 semaphore(%arg14 : memref<!tpu.dma_semaphore, #tpu.memory_space<semaphore_mem>>) src(%arg8 : memref<8x4096xf32, #tpu.memory_space<vmem>>) dst(%dma_wait3A_48 : memref<8x4096xf32, #tpu.memory_space<hbm>>)
    %add3A_49 = arith.constant 240 : i32
    %add3A_50 = arith.addi %mul3A_2, %add3A_49 : i32
    %dma_wait3A_51 = arith.constant 0 : i32
    %dma_wait3A_52 = tpu.memref_slice %arg4[%add3A_50, %dma_wait3A_51] : memref<8192x4096xf32, #tpu.memory_space<hbm>> -> memref<8x4096xf32, #tpu.memory_space<hbm>>
    %dma_wait3A_53 = arith.constant 0 : i32
    %dma_wait3A_54 = tpu.memref_slice %arg4[%add3A_50, %dma_wait3A_53] : memref<8192x4096xf32, #tpu.memory_space<hbm>> -> memref<8x4096xf32, #tpu.memory_space<hbm>>
    tpu.wait_dma2 semaphore(%arg12 : memref<!tpu.dma_semaphore, #tpu.memory_space<semaphore_mem>>) src(%arg6 : memref<8x4096xf32, #tpu.memory_space<vmem>>) dst(%dma_wait3A_54 : memref<8x4096xf32, #tpu.memory_space<hbm>>)
    %add3A_55 = arith.constant 248 : i32
    %add3A_56 = arith.addi %mul3A_2, %add3A_55 : i32
    %dma_wait3A_57 = arith.constant 0 : i32
    %dma_wait3A_58 = tpu.memref_slice %arg4[%add3A_56, %dma_wait3A_57] : memref<8192x4096xf32, #tpu.memory_space<hbm>> -> memref<8x4096xf32, #tpu.memory_space<hbm>>
    %dma_wait3A_59 = arith.constant 0 : i32
    %dma_wait3A_60 = tpu.memref_slice %arg4[%add3A_56, %dma_wait3A_59] : memref<8192x4096xf32, #tpu.memory_space<hbm>> -> memref<8x4096xf32, #tpu.memory_space<hbm>>
    tpu.wait_dma2 semaphore(%arg13 : memref<!tpu.dma_semaphore, #tpu.memory_space<semaphore_mem>>) src(%arg7 : memref<8x4096xf32, #tpu.memory_space<vmem>>) dst(%dma_wait3A_60 : memref<8x4096xf32, #tpu.memory_space<hbm>>)
    return
  }
}

</mosaic_0001>

<sc_bundles>
// kernel: kernel.3.cloned.1.call-start
scs
__scs_entry_jumppad:
0x0: {  	(pc) =	sbr.rel $0x88, $3  }
0x1: {  	(tag) =	ssettag $0x0;
	lr =	simm.s32 $0x1  }
0x2: {  	[smem:$0x3F9F] =	sst lr;
	_ =	strace $0xD0000000  }
0x3: {  	_ = 	snop  }
0x4: {  	_ = 	snop  }
0x5: {  	_ = 	snop  }
0x6: {  	_ = 	snop  }
0x7: {  	_ = 	snop  }
__scs_overlays_trampoline_lowered:
0x8: {  	[smem:$0x3FAE] =	sst s0  }
0x9: {  	[smem:$0x3FAF] =	sst s1  }
0xa: {  	[smem:$0x3FB0] =	sst s2  }
0xb: {  	[smem:$0x3FB1] =	sst s3  }
0xc: {  	[smem:$0x3FB2] =	sst s4  }
0xd: {  	[smem:$0x3FB3] =	sst s5  }
0xe: {  	[smem:$0x3FB4] =	sst s6  }
0xf: {  	[smem:$0x3FB5] =	sst s7  }
0x10: {  	[smem:$0x3FB6] =	sst s8  }
0x11: {  	[smem:$0x3FB7] =	sst s9;
	s0 =	simm.s32 @!p0 $0x0  }
0x12: {  	s1 =	sld [smem:$0x3F9D];
	s0 =	simm.s32 @p0 $0x1  }
0x13: {  	[smem:$0x3FB8] =	sst s0;
	s0 =	simm.s32 @!p1 $0x0  }
0x14: {  	s2 =	sld [smem:$0x3F9C];
	s0 =	simm.s32 @p1 $0x1  }
0x15: {  	[smem:$0x3FB9] =	sst s0;
	s0 =	simm.s32 @!p2 $0x0  }
0x16: {  	s3 =	sld [smem:$0x3FDB];
	s0 =	simm.s32 @p2 $0x1  }
0x17: {  	s4 =	simm.s32 $0x1BF5;
	[smem:$0x3FBB] =	sst s0  }
0x18: {  	s0 =	sld [smem:$0x3F9E];
	_ =	swait.ge [sflag:s4], $0x0  }
0x19: {  	s7 =	sld [smem:$0x3F9F]  }
0x1a: {  	s8 =	sadd.s32 $0xFFFFE003, lr  }
0x1b: {  	s9 =	sadd.s32 $0xFFFFFEF7, lr;
	s5 =	simm.s32 $0xFFFFFFFF;
	p2 =	slt.u32 s8, $0xFFFFF086  }
0x1c: {  	p1 =	slt.u32 s9, $0xF7A;
	s5 =	simm.s32 @!p2 $0x0  }
0x1d: {  	s5 =	simm.s32 @p1 $0x1;
	p0 =	seq.s32 s7, s2  }
0x1e: {  	s7 =	smul.u32 @!p0 $0xF7A, s2;
	p2 =	seq.s32 @!p0 s5, $0x0  }
0x1f: {  	s9 =	smul.u32 $0xF7A, s1;
	s8 =	simm.s32 @!p0 $0x1BF5;
	p2 =	por !p2, p0  }
0x20: {  	[sflag:s8] =	ssyncset.s32 @!p0 $0xFFFFF086;
	s6 =	sadd.s32 @!p0 s3, s7;
	s7 =	simm.s32 @!p0 $0x108  }
0x21: {  	s3 =	sadd.s32 s3, s9;
	s6 =	sadd.s32 @!p0 $0x88, s6;
	s7 =	simm.s32 @p2 $0x1082  }
0x22: {  	[simem:s7], [sflag:s8] =	dma.local @!p0 [hbm:s6], $0xF7A  }
0x23: {  	s9 =	sor.u32 $0xD0000000, s2;
	s6 =	simm.s32 $0x108;
	_ =	swait.ge @!p0 [sflag:s8], $0x0  }
0x24: {  	s3 =	sadd.s32 $0x88, s3;
	s6 =	simm.s32 @!p1 $0x1082;
	[sflag:s4] =	ssyncset.s32 $0xFFFFF086  }
0x25: {  	[simem:s6], [sflag:s4] =	dma.local [hbm:s3], $0xF7A  }
0x26: {  	[smem:$0x3F9F] =	sst s1;
	(tag) =	ssettag s2;
	_ =	strace s9  }
0x27: {  	s1 =	sld [smem:$0x3FAF]  }
0x28: {  	s2 =	sld [smem:$0x3FB0]  }
0x29: {  	s4 =	sld [smem:$0x3FB2]  }
0x2a: {  	p0 =	seq.s32 s5, $0x0;
	s5 =	sld [smem:$0x3FB3]  }
0x2b: {  	s6 =	sld [smem:$0x3FB4]  }
0x2c: {  	s7 =	sld [smem:$0x3FB5]  }
0x2d: {  	s3 =	simm.s32 $0x108;
	s8 =	sld [smem:$0x3FB6]  }
0x2e: {  	s3 =	simm.s32 @!p0 $0x1082;
	s9 =	sld [smem:$0x3FB7]  }
0x2f: {  	lr =	sadd.s32 s0, s3;
	s0 =	sld [smem:$0x3FAE]  }
0x30: {  	s3 =	sld [smem:$0x3FB1]  }
0x31: {  	[smem:$0x3FBA] =	sst s10  }
0x32: {  	s10 =	sld [smem:$0x3FB8];
	_ =	sdelay $0x3  }
0x33: {  	p0 =	seq.s32 s10, $0x1;
	s10 =	sld [smem:$0x3FBA];
	_ =	sdelay $0x3  }
0x34: {  	[smem:$0x3FBA] =	sst s10  }
0x35: {  	s10 =	sld [smem:$0x3FB9];
	_ =	sdelay $0x3  }
0x36: {  	p1 =	seq.s32 s10, $0x1;
	s10 =	sld [smem:$0x3FBA];
	_ =	sdelay $0x3  }
0x37: {  	[smem:$0x3FBA] =	sst s10  }
0x38: {  	s10 =	sld [smem:$0x3FBB]  }
0x39: {  	_ = 	snop;
	(pc) =	sbr.ind lr, $3  }
0x3a: {  	_ = 	snop  }
0x3b: {  	_ = 	snop  }
0x3c: {  	p2 =	seq.s32 s10, $0x1;
	s10 =	sld [smem:$0x3FBA]  }
0x3d: {  	_ =	shalt  }
0x3e: {  	_ =	shalt  }
0x3f: {  	_ =	shalt  }
0x40: {  	_ =	shalt  }
0x41: {  	_ =	shalt  }
0x42: {  	_ =	shalt  }
0x43: {  	_ =	shalt  }
0x44: {  	_ =	shalt  }
0x45: {  	_ =	shalt  }
0x46: {  	_ =	shalt  }
0x47: {  	_ =	shalt  }
0x48: {  	_ =	shalt  }
0x49: {  	_ =	shalt  }
0x4a: {  	_ =	shalt  }
0x4b: {  	_ =	shalt  }
0x4c: {  	_ =	shalt  }
0x4d: {  	_ =	shalt  }
0x4e: {  	_ =	shalt  }
0x4f: {  	_ =	shalt  }
0x50: {  	_ =	shalt  }
0x51: {  	_ =	shalt  }
0x52: {  	_ =	shalt  }
0x53: {  	_ =	shalt  }
0x54: {  	_ =	shalt  }
0x55: {  	_ =	shalt  }
0x56: {  	_ =	shalt  }
0x57: {  	_ =	shalt  }
0x58: {  	_ =	shalt  }
0x59: {  	_ =	shalt  }
0x5a: {  	_ =	shalt  }
0x5b: {  	_ =	shalt  }
0x5c: {  	_ =	shalt  }
0x5d: {  	_ =	shalt  }
0x5e: {  	_ =	shalt  }
0x5f: {  	_ =	shalt  }
0x60: {  	_ =	shalt  }
0x61: {  	_ =	shalt  }
0x62: {  	_ =	shalt  }
0x63: {  	_ =	shalt  }
0x64: {  	_ =	shalt  }
0x65: {  	_ =	shalt  }
0x66: {  	_ =	shalt  }
0x67: {  	_ =	shalt  }
0x68: {  	_ =	shalt  }
0x69: {  	_ =	shalt  }
0x6a: {  	_ =	shalt  }
0x6b: {  	_ =	shalt  }
0x6c: {  	_ =	shalt  }
0x6d: {  	_ =	shalt  }
0x6e: {  	_ =	shalt  }
0x6f: {  	_ =	shalt  }
0x70: {  	_ =	shalt  }
0x71: {  	_ =	shalt  }
0x72: {  	_ =	shalt  }
0x73: {  	_ =	shalt  }
0x74: {  	_ =	shalt  }
0x75: {  	_ =	shalt  }
0x76: {  	_ =	shalt  }
0x77: {  	_ =	shalt  }
0x78: {  	_ =	shalt  }
0x79: {  	_ =	shalt  }
0x7a: {  	_ =	shalt  }
0x7b: {  	_ =	shalt  }
0x7c: {  	_ =	shalt  }
0x7d: {  	_ =	shalt  }
0x7e: {  	_ =	shalt  }
0x7f: {  	_ =	shalt  }
0x80: {  	_ =	shalt  }
0x81: {  	_ =	shalt  }
0x82: {  	_ =	shalt  }
0x83: {  	_ =	shalt  }
0x84: {  	_ =	shalt  }
0x85: {  	_ =	shalt  }
0x86: {  	_ =	shalt  }
0x87: {  	_ =	shalt  }
.Lfunc_end0:
.L_simem_size_0:
called_computation_lowered:
.L_overlay_start_0:
0x88: {  	s2 =	sld [smem:$0x3FD9]  }
0x89: {  	s3 =	sld [smem:$0x3FFE];
	_ =	sdelay $0x1  }
0x8a: {  	s1 =	srdreg.scid  }
0x8b: {  	s0 =	sand.u32 $0x1, s1  }
0x8c: {  	s17 =	sshll.u32 s0, $0xA;
	s2 =	sadd.s32 s3, s2  }
0x8d: {  	s2 =	sadd.s32 s2, s17  }
0x8e: {  	[smem:$0x3FC6] =	sst s2  }
0x8f: {  	_ = 	snop  }
0x90: {  	s2 =	sld [smem:$0x3FC8]  }
0x91: {  	s18 =	sld [smem:$0x3FD0];
	(tm) =	ssettm $0x1  }
0x92: {  	s4 =	sld [smem:$0x3FFB];
	_ =	sdelay $0x3  }
0x93: {  	_ =	strace s4  }
0x94: {  	s4 =	sld [smem:$0x3FFC];
	_ =	sdelay $0x3  }
0x95: {  	_ =	strace s4  }
0x96: {  	s4 =	sld [smem:$0x3FFD];
	_ =	sdelay $0x3  }
0x97: {  	_ =	strace s4  }
0x98: {  	_ =	strace $0x8FFFFFFF  }
0x99: {  	s19 =	sld [smem:$0x3FDB];
	_ =	sdelay $0x1  }
0x9a: {  	s5 =	simm.s32 $_scs_section_size  }
0x9b: {  	s6 =	simm.s32 $_size__tile_overlayer_lowered;
	s7 =	simm.s32 $_tile_overlayer_lowered  }
0x9c: {  	s22 =	simm.s32 $0x1BFF;
	s21 =	sshll.u32 s7, $0x1;
	s4 =	sadd.s32 s5, s19  }
0x9d: {  	s8 =	simm.s32 $0x0;
	s20 =	sshll.u32 s6, $0x1;
	s6 =	sadd.s32 s21, s4  }
0x9e: {  	[timem:s8], [sflag:s22] =	dma.local [hbm:s6], s20  }
0x9f: {  	_ =	swait.ge [sflag:s22], s20  }
0xa0: {  	s5 =	ssub.s32 $0x0, s20;
	[sflag:s22] =	ssyncset.done $0x0  }
0xa1: {  	[sflag:s22] =	ssyncadd.s32 s5;
	_ =	sdelay $0x1  }
0xa2: {  	s23 =	simm.s32 $0x1B8B  }
0xa3: {  	_ =	swait.ge [sflag:s23], $0x1  }
0xa4: {  	[sflag:s23] =	ssyncset.done $0x0  }
0xa5: {  	s25 =	simm.s32 $0x1B8E;
	s24 =	sld [smem:$0x3FFE];
	[sflag:s23] =	ssyncadd.s32 $0xFFFFFFFF  }
0xa6: {  	s26 =	simm.s32 $execute0_lowered;
	[smem:$0x3FD2] =	sst s25  }
0xa7: {  	s6 =	sshll.u32 s26, $0x1;
	_ =	strace $0x80000046;
	[dreg:$0x1] =	wrdreg $0xFFFFFFFF  }
0xa8: {  	s28 =	simm.s32 $_size_execute0_lowered;
	s4 =	sadd.s32 s4, s6;
	[dreg:$0x0] =	wrdreg $0x0  }
0xa9: {  	s6 =	sshll.u32 s28, $0x1;
	[dreg:$0x2] =	wrdreg s4  }
0xaa: {  	[dreg:$0x3] =	wrdreg s6  }
0xab: {  	[dreg:$0x4] =	wrdreg $0xC0  }
0xac: {  	_ =	task [dreg:s8], $0x5FFFF  }
0xad: {  	[dreg:$0x1] =	wrdreg $0xFFFFFFFF  }
0xae: {  	[dreg:$0x0] =	wrdreg $0x60  }
0xaf: {  	[dreg:$0x2] =	wrdreg s24  }
0xb0: {  	[dreg:$0x3] =	wrdreg s2  }
0xb1: {  	[dreg:$0x4] =	wrdreg s18  }
0xb2: {  	[dreg:$0x5] =	wrdreg $0x9  }
0xb3: {  	_ =	task.clear_ibuf [dreg:s8], $0x6FFFF;
	_ =	strace $0x90000046  }
0xb4: {  	s29 =	simm.s32 $0x9;
	_ =	strace $0x80000048  }
0xb5: {  	_ =	swait.ge [sflag:s29], $0x1  }
0xb6: {  	[sflag:s29] =	ssyncadd.s32 $0xFFFFFFFF  }
0xb7: {  	_ =	strace $0x90000048  }
0xb8: {  	_ =	sfence  }
0xb9: {  	s30 =	sld [smem:$0x0];
	_ =	sdelay $0x2  }
0xba: {  	s31 =	sshll.u32 s1, $0xD;
	s1 =	sshrl.u32 s1, $0x2  }
0xbb: {  	s3 =	sand.u32 $0x4000, s31;
	s1 =	sadd.s32 s1, s30  }
0xbc: {  	s0 =	sor.u32 s3, s0;
	s1 =	sshll.u32 s1, $0x11  }
0xbd: {  	s0 =	sor.u32 s1, s0  }
0xbe: {  	s0 =	sadd.s32 $0x8F2B, s0  }
0xbf: {  	[sflag:s0] =	ssyncadd.remote.s32 $0x1  }
0xc0: {  	_ =	sfence.sel $0xFFFF  }
0xc1: {  	[dreg:$0x0] =	wrdreg $0xFFFFFFFF;
	(pc) =	sbr.abs _section_cstart, $3  }
0xc2: {  	[dreg:$0x1] =	wrdreg $0xFFFFFFFF  }
0xc3: {  	_ =	task.clear_ibuf [dreg:s8], $0x2FFFF;
	_ =	strace $0x9FFFFFFF  }
0xc4: {  	(tm) =	ssettm $0x7FFFFFFF  }
0xc5: {  	_ =	shalt  }
tec
execute0_lowered:
.L_overlay_start_1:
0x0: {  	(tag) =	ssettag $0x1  }
0x1: {  	s0 =	rddreg [dreg:$0x0]  }
0x2: {  	s1 =	srdreg.scid;
	s2 =	rddreg [dreg:$0x1]  }
0x3: {  	s21 =	stileid.u32;
	s4 =	rddreg [dreg:$0x2];
	s29 =	simm.s32 $0x8100  }
0x4: {  	s31 =	simm.s32 $0x17900;
	s24 =	simm.s32 $0x2;
	s23 =	simm.s32 $0x0  }
0x5: {  	s1 =	sand.u32 $0x1, s1;
	s3 =	sshll.u32 s21, $0x9;
	s7 =	sadd.s32 $0x300, s2  }
0x6: {  	s8 =	sadd.s32 $0x400, s2;
	s9 =	sadd.s32 $0x500, s2;
	s10 =	sadd.s32 $0x600, s2  }
0x7: {  	s11 =	sadd.s32 $0x700, s2;
	s12 =	sadd.s32 $0x800, s2;
	s13 =	sadd.s32 $0x900, s2  }
0x8: {  	s14 =	sadd.s32 $0xA00, s2;
	s15 =	sadd.s32 $0xB00, s2;
	s16 =	sadd.s32 $0xC00, s2  }
0x9: {  	s17 =	sadd.s32 $0xD00, s2;
	s18 =	sadd.s32 $0xE00, s2;
	s21 =	sshll.u32 s21, $0x12  }
0xa: {  	s5 =	sshll.u32 s1, $0x8;
	s6 =	ssub.s32 $0x2, s1;
	s1 =	sshll.u32 s1, $0x11  }
0xb: {  	s19 =	sor.u32 s5, s3;
	s3 =	simm.s32 $0x0;
	s25 =	sshrl.u32 s6, $0x1  }
0xc: {  	s5 =	sshrl.u32 s19, $0x3;
	[smem:$0x7FF] =	sst s3;
	s20 =	ssub.s32 s6, s25  }
0xd: {  	s6 =	sadd.s32 $0x200, s2;
	s26 =	sshll.u32 s19, $0x9;
	s19 =	sadd.s32 $0xF00, s2  }
0xe: {  	s25 =	simm.s32 $0x100;
	s0 =	sadd.s32 s5, s0;
	s28 =	smax.u32 s20, $0x1  }
0xf: {  	_ =	strace $0x80000047;
	s0 =	sadd.s32 $0x400, s0;
	[dreg:$0x7] =	wrdreg s28  }
0x10: {  	s5 =	sadd.s32 $0x100, s2;
	s20 =	simm.s32 $0x5;
	[dreg:$0x4] =	wrdreg s0  }
.Ltmp0:
0x11: {  	s0 =	sadd.s32 s26, s4;
	s4 =	sadd.s32 s21, s4;
	(pc) =	sbr.rel .LBB2_1-.Ltmp0, $4  }
0x12: {  	s26 =	simm.s32 $0x3;
	s21 =	simm.s32 $0x6;
	s22 =	sadd.s32 $0x1E000, s0  }
0x13: {  	v0 =	vlaneseq.u32;
	s0 =	sadd.s32 $0x1F000, s0;
	s30 =	sadd.s32 s1, s4;
	[dreg:$0x5] =	wrdreg s22  }
0x14: {  	v1 =	vshrl.u32 v0, $0x3;
	s4 =	simm.s32 $0x1;
	[dreg:$0x6] =	wrdreg s0;
	s0 =	sadd.s32 $0x2000, s30  }
0x15: {  	vm0 =	vmmov $0xffff;
	v0 =	vand.u32 $0x7, v0;
	v1 =	vmul.u32 $0x8, v1;
	s1 =	simm.s32 $0x4;
	[dreg:$0x8] =	wrdreg s0;
	s0 =	simm.s32 $0x10100  }
.LBB2_4:
0x16: {  	_ =	swait.ge [sflag:s4], $0x8000  }
0x17: {  	[sflag:s4] =	ssyncset.done $0x0  }
0x18: {  	s22 =	rddreg [dreg:$0x5];
	[sflag:s4] =	ssyncadd.s32 $0xFFFF8000  }
0x19: {  	[hbm4b:s22+s3] =	stream.linear.scatter [tilespmem:s25], [sflag:$0x4], $0x8000, $0x38;
	[tilespmem:$0x18100] =	vst v63  }
0x1a: {  	_ =	swait.ge [sflag:s24], $0x8000  }
0x1b: {  	[sflag:s24] =	ssyncset.done $0x0  }
0x1c: {  	s28 =	rddreg [dreg:$0x6];
	[sflag:s24] =	ssyncadd.s32 $0xFFFF8000  }
0x1d: {  	[hbm4b:s28+s3] =	stream.linear.scatter [tilespmem:s29], [sflag:$0x5], $0x8000, $0x38;
	[tilespmem:$0x18100] =	vst v63  }
0x1e: {  	_ =	swait.ge [sflag:s21], $0x8000  }
0x1f: {  	[sflag:s21] =	ssyncset.done $0x0  }
0x20: {  	[sflag:s21] =	ssyncadd.s32 $0xFFFF8000  }
0x21: {  	_ =	swait.ge [sflag:s1], $0x8000  }
0x22: {  	[sflag:s1] =	ssyncset.done $0x0  }
0x23: {  	[sflag:s1] =	ssyncadd.s32 $0xFFFF8000  }
0x24: {  	_ =	swait.ge [sflag:s20], $0x8000  }
0x25: {  	s23 =	rddreg [dreg:$0x9]  }
0x26: {  	s30 =	rddreg [dreg:$0x7];
	s23 =	sadd.s32 $0x1, s23  }
0x27: {  	p0 =	sne.s32 s23, s30  }
.Ltmp1:
0x28: {  	_ = 	snop;
	(pc) =	sbr.rel @!p0 .LBB2_5-.Ltmp1, $3  }
0x29: {  	_ =	sdelay $0x1  }
0x2a: {  	[sflag:s20] =	ssyncset.done $0x0  }
0x2b: {  	[sflag:s20] =	ssyncadd.s32 $0xFFFF8000  }
.LBB2_1:
0x2c: {  	[dreg:$0x9] =	wrdreg s23  }
0x2d: {  	s22 =	rddreg [dreg:$0x4];
	s30 =	simm.s32 $0x7  }
0x2e: {  	[tilespmem:s3], [sflag:$0x7] =	stream.linear.gather [hbm4b:s22+s3], $0x100, $0x38;
	[tilespmem:$0x18100] =	vst v63  }
0x2f: {  	_ =	swait.ge [sflag:s30], $0x100  }
0x30: {  	[sflag:s30] =	ssyncset.done $0x0  }
0x31: {  	[sflag:s30] =	ssyncadd.s32 $0xFFFFFF00  }
0x32: {  	v2 =	vld.msk [tilespmem:$0x0], $0xff;
	_ =	sdelay $0x4  }
0x33: {  	v3 =	vshll.u32 v2, $0x5  }
0x34: {  	v2 =	vand.u32 $0x7, v2;
	v3 =	vand.u32 $0xFFFFFF00, v3  }
0x35: {  	v2 =	vor.u32 v2, v3  }
0x36: {  	v2 =	vperm.xlane v2, v0;
	_ =	sdelay $0x1  }
0x37: {  	v2 =	vadd.s32 v1, v2;
	_ =	sdelay $0x4  }
0x38: {  	[tilespmem:s25], [sflag:$0x1] =	stream.indirect_vreg.gather [hbm4b:s2+s3], $0x80, v2, vm0, $0xb8;
	[tilespmem:$0x18100] =	vst v63  }
0x39: {  	s23 =	simm.s32 $0x900  }
0x3a: {  	[tilespmem:s23], [sflag:$0x1] =	stream.indirect_vreg.gather [hbm4b:s5+s3], $0x80, v2, vm0, $0xb8;
	[tilespmem:$0x18100] =	vst v63  }
0x3b: {  	s30 =	simm.s32 $0x1100  }
0x3c: {  	[tilespmem:s30], [sflag:$0x1] =	stream.indirect_vreg.gather [hbm4b:s6+s3], $0x80, v2, vm0, $0xb8;
	[tilespmem:$0x18100] =	vst v63  }
0x3d: {  	s23 =	simm.s32 $0x1900  }
0x3e: {  	[tilespmem:s23], [sflag:$0x1] =	stream.indirect_vreg.gather [hbm4b:s7+s3], $0x80, v2, vm0, $0xb8;
	[tilespmem:$0x18100] =	vst v63  }
0x3f: {  	s30 =	simm.s32 $0x2100  }
0x40: {  	[tilespmem:s30], [sflag:$0x1] =	stream.indirect_vreg.gather [hbm4b:s8+s3], $0x80, v2, vm0, $0xb8;
	[tilespmem:$0x18100] =	vst v63  }
0x41: {  	s23 =	simm.s32 $0x2900  }
0x42: {  	[tilespmem:s23], [sflag:$0x1] =	stream.indirect_vreg.gather [hbm4b:s9+s3], $0x80, v2, vm0, $0xb8;
	[tilespmem:$0x18100] =	vst v63  }
0x43: {  	s30 =	simm.s32 $0x3100  }
0x44: {  	[tilespmem:s30], [sflag:$0x1] =	stream.indirect_vreg.gather [hbm4b:s10+s3], $0x80, v2, vm0, $0xb8;
	[tilespmem:$0x18100] =	vst v63  }
0x45: {  	s23 =	simm.s32 $0x3900  }
0x46: {  	[tilespmem:s23], [sflag:$0x1] =	stream.indirect_vreg.gather [hbm4b:s11+s3], $0x80, v2, vm0, $0xb8;
	[tilespmem:$0x18100] =	vst v63  }
0x47: {  	s30 =	simm.s32 $0x4100  }
0x48: {  	[tilespmem:s30], [sflag:$0x1] =	stream.indirect_vreg.gather [hbm4b:s12+s3], $0x80, v2, vm0, $0xb8;
	[tilespmem:$0x18100] =	vst v63  }
0x49: {  	s23 =	simm.s32 $0x4900  }
0x4a: {  	[tilespmem:s23], [sflag:$0x1] =	stream.indirect_vreg.gather [hbm4b:s13+s3], $0x80, v2, vm0, $0xb8;
	[tilespmem:$0x18100] =	vst v63  }
0x4b: {  	s30 =	simm.s32 $0x5100  }
0x4c: {  	[tilespmem:s30], [sflag:$0x1] =	stream.indirect_vreg.gather [hbm4b:s14+s3], $0x80, v2, vm0, $0xb8;
	[tilespmem:$0x18100] =	vst v63  }
0x4d: {  	s23 =	simm.s32 $0x5900  }
0x4e: {  	[tilespmem:s23], [sflag:$0x1] =	stream.indirect_vreg.gather [hbm4b:s15+s3], $0x80, v2, vm0, $0xb8;
	[tilespmem:$0x18100] =	vst v63  }
0x4f: {  	s30 =	simm.s32 $0x6100  }
0x50: {  	[tilespmem:s30], [sflag:$0x1] =	stream.indirect_vreg.gather [hbm4b:s16+s3], $0x80, v2, vm0, $0xb8;
	[tilespmem:$0x18100] =	vst v63  }
0x51: {  	s23 =	simm.s32 $0x6900  }
0x52: {  	[tilespmem:s23], [sflag:$0x1] =	stream.indirect_vreg.gather [hbm4b:s17+s3], $0x80, v2, vm0, $0xb8;
	[tilespmem:$0x18100] =	vst v63  }
0x53: {  	s30 =	simm.s32 $0x7100  }
0x54: {  	[tilespmem:s30], [sflag:$0x1] =	stream.indirect_vreg.gather [hbm4b:s18+s3], $0x80, v2, vm0, $0xb8;
	[tilespmem:$0x18100] =	vst v63  }
0x55: {  	s23 =	simm.s32 $0x7900  }
0x56: {  	[tilespmem:s23], [sflag:$0x1] =	stream.indirect_vreg.gather [hbm4b:s19+s3], $0x80, v2, vm0, $0xb8;
	[tilespmem:$0x18100] =	vst v63  }
0x57: {  	v2 =	vld.msk [tilespmem:$0x8], $0xff;
	_ =	sdelay $0x4  }
0x58: {  	v3 =	vshll.u32 v2, $0x5  }
0x59: {  	v2 =	vand.u32 $0x7, v2;
	v3 =	vand.u32 $0xFFFFFF00, v3  }
0x5a: {  	v2 =	vor.u32 v2, v3  }
0x5b: {  	v2 =	vperm.xlane v2, v0;
	_ =	sdelay $0x1  }
0x5c: {  	v2 =	vadd.s32 v1, v2;
	_ =	sdelay $0x4  }
0x5d: {  	[tilespmem:s29], [sflag:$0x2] =	stream.indirect_vreg.gather [hbm4b:s2+s3], $0x80, v2, vm0, $0xb8;
	[tilespmem:$0x18100] =	vst v63  }
0x5e: {  	s30 =	simm.s32 $0x8900  }
0x5f: {  	[tilespmem:s30], [sflag:$0x2] =	stream.indirect_vreg.gather [hbm4b:s5+s3], $0x80, v2, vm0, $0xb8;
	[tilespmem:$0x18100] =	vst v63  }
0x60: {  	s23 =	simm.s32 $0x9100  }
0x61: {  	[tilespmem:s23], [sflag:$0x2] =	stream.indirect_vreg.gather [hbm4b:s6+s3], $0x80, v2, vm0, $0xb8;
	[tilespmem:$0x18100] =	vst v63  }
0x62: {  	s30 =	simm.s32 $0x9900  }
0x63: {  	[tilespmem:s30], [sflag:$0x2] =	stream.indirect_vreg.gather [hbm4b:s7+s3], $0x80, v2, vm0, $0xb8;
	[tilespmem:$0x18100] =	vst v63  }
0x64: {  	s23 =	simm.s32 $0xA100  }
0x65: {  	[tilespmem:s23], [sflag:$0x2] =	stream.indirect_vreg.gather [hbm4b:s8+s3], $0x80, v2, vm0, $0xb8;
	[tilespmem:$0x18100] =	vst v63  }
0x66: {  	s30 =	simm.s32 $0xA900  }
0x67: {  	[tilespmem:s30], [sflag:$0x2] =	stream.indirect_vreg.gather [hbm4b:s9+s3], $0x80, v2, vm0, $0xb8;
	[tilespmem:$0x18100] =	vst v63  }
0x68: {  	s23 =	simm.s32 $0xB100  }
0x69: {  	[tilespmem:s23], [sflag:$0x2] =	stream.indirect_vreg.gather [hbm4b:s10+s3], $0x80, v2, vm0, $0xb8;
	[tilespmem:$0x18100] =	vst v63  }
0x6a: {  	s30 =	simm.s32 $0xB900  }
0x6b: {  	[tilespmem:s30], [sflag:$0x2] =	stream.indirect_vreg.gather [hbm4b:s11+s3], $0x80, v2, vm0, $0xb8;
	[tilespmem:$0x18100] =	vst v63  }
0x6c: {  	s23 =	simm.s32 $0xC100  }
0x6d: {  	[tilespmem:s23], [sflag:$0x2] =	stream.indirect_vreg.gather [hbm4b:s12+s3], $0x80, v2, vm0, $0xb8;
	[tilespmem:$0x18100] =	vst v63  }
0x6e: {  	s30 =	simm.s32 $0xC900  }
0x6f: {  	[tilespmem:s30], [sflag:$0x2] =	stream.indirect_vreg.gather [hbm4b:s13+s3], $0x80, v2, vm0, $0xb8;
	[tilespmem:$0x18100] =	vst v63  }
0x70: {  	s23 =	simm.s32 $0xD100  }
0x71: {  	[tilespmem:s23], [sflag:$0x2] =	stream.indirect_vreg.gather [hbm4b:s14+s3], $0x80, v2, vm0, $0xb8;
	[tilespmem:$0x18100] =	vst v63  }
0x72: {  	s30 =	simm.s32 $0xD900  }
0x73: {  	[tilespmem:s30], [sflag:$0x2] =	stream.indirect_vreg.gather [hbm4b:s15+s3], $0x80, v2, vm0, $0xb8;
	[tilespmem:$0x18100] =	vst v63  }
0x74: {  	s23 =	simm.s32 $0xE100  }
0x75: {  	[tilespmem:s23], [sflag:$0x2] =	stream.indirect_vreg.gather [hbm4b:s16+s3], $0x80, v2, vm0, $0xb8;
	[tilespmem:$0x18100] =	vst v63  }
0x76: {  	s30 =	simm.s32 $0xE900  }
0x77: {  	[tilespmem:s30], [sflag:$0x2] =	stream.indirect_vreg.gather [hbm4b:s17+s3], $0x80, v2, vm0, $0xb8;
	[tilespmem:$0x18100] =	vst v63  }
0x78: {  	s23 =	simm.s32 $0xF100  }
0x79: {  	[tilespmem:s23], [sflag:$0x2] =	stream.indirect_vreg.gather [hbm4b:s18+s3], $0x80, v2, vm0, $0xb8;
	[tilespmem:$0x18100] =	vst v63  }
0x7a: {  	s30 =	simm.s32 $0xF900  }
0x7b: {  	[tilespmem:s30], [sflag:$0x2] =	stream.indirect_vreg.gather [hbm4b:s19+s3], $0x80, v2, vm0, $0xb8;
	[tilespmem:$0x18100] =	vst v63  }
0x7c: {  	v2 =	vld.msk [tilespmem:$0x10], $0xff;
	_ =	sdelay $0x4  }
0x7d: {  	v3 =	vshll.u32 v2, $0x5  }
0x7e: {  	v2 =	vand.u32 $0x7, v2;
	v3 =	vand.u32 $0xFFFFFF00, v3  }
0x7f: {  	v2 =	vor.u32 v2, v3  }
0x80: {  	v2 =	vperm.xlane v2, v0;
	_ =	sdelay $0x1  }
0x81: {  	v2 =	vadd.s32 v1, v2;
	_ =	sdelay $0x4  }
0x82: {  	[tilespmem:s0], [sflag:$0x3] =	stream.indirect_vreg.gather [hbm4b:s2+s3], $0x80, v2, vm0, $0xb8;
	[tilespmem:$0x18100] =	vst v63  }
0x83: {  	s23 =	simm.s32 $0x10900  }
0x84: {  	[tilespmem:s23], [sflag:$0x3] =	stream.indirect_vreg.gather [hbm4b:s5+s3], $0x80, v2, vm0, $0xb8;
	[tilespmem:$0x18100] =	vst v63  }
0x85: {  	s30 =	simm.s32 $0x11100  }
0x86: {  	[tilespmem:s30], [sflag:$0x3] =	stream.indirect_vreg.gather [hbm4b:s6+s3], $0x80, v2, vm0, $0xb8;
	[tilespmem:$0x18100] =	vst v63  }
0x87: {  	s23 =	simm.s32 $0x11900  }
0x88: {  	[tilespmem:s23], [sflag:$0x3] =	stream.indirect_vreg.gather [hbm4b:s7+s3], $0x80, v2, vm0, $0xb8;
	[tilespmem:$0x18100] =	vst v63  }
0x89: {  	s30 =	simm.s32 $0x12100  }
0x8a: {  	[tilespmem:s30], [sflag:$0x3] =	stream.indirect_vreg.gather [hbm4b:s8+s3], $0x80, v2, vm0, $0xb8;
	[tilespmem:$0x18100] =	vst v63  }
0x8b: {  	s23 =	simm.s32 $0x12900  }
0x8c: {  	[tilespmem:s23], [sflag:$0x3] =	stream.indirect_vreg.gather [hbm4b:s9+s3], $0x80, v2, vm0, $0xb8;
	[tilespmem:$0x18100] =	vst v63  }
0x8d: {  	s30 =	simm.s32 $0x13100  }
0x8e: {  	[tilespmem:s30], [sflag:$0x3] =	stream.indirect_vreg.gather [hbm4b:s10+s3], $0x80, v2, vm0, $0xb8;
	[tilespmem:$0x18100] =	vst v63  }
0x8f: {  	s23 =	simm.s32 $0x13900  }
0x90: {  	[tilespmem:s23], [sflag:$0x3] =	stream.indirect_vreg.gather [hbm4b:s11+s3], $0x80, v2, vm0, $0xb8;
	[tilespmem:$0x18100] =	vst v63  }
0x91: {  	s30 =	simm.s32 $0x14100  }
0x92: {  	[tilespmem:s30], [sflag:$0x3] =	stream.indirect_vreg.gather [hbm4b:s12+s3], $0x80, v2, vm0, $0xb8;
	[tilespmem:$0x18100] =	vst v63  }
0x93: {  	s23 =	simm.s32 $0x14900  }
0x94: {  	[tilespmem:s23], [sflag:$0x3] =	stream.indirect_vreg.gather [hbm4b:s13+s3], $0x80, v2, vm0, $0xb8;
	[tilespmem:$0x18100] =	vst v63  }
0x95: {  	s30 =	simm.s32 $0x15100  }
0x96: {  	[tilespmem:s30], [sflag:$0x3] =	stream.indirect_vreg.gather [hbm4b:s14+s3], $0x80, v2, vm0, $0xb8;
	[tilespmem:$0x18100] =	vst v63  }
0x97: {  	s23 =	simm.s32 $0x15900  }
0x98: {  	[tilespmem:s23], [sflag:$0x3] =	stream.indirect_vreg.gather [hbm4b:s15+s3], $0x80, v2, vm0, $0xb8;
	[tilespmem:$0x18100] =	vst v63  }
0x99: {  	s30 =	simm.s32 $0x16100  }
0x9a: {  	[tilespmem:s30], [sflag:$0x3] =	stream.indirect_vreg.gather [hbm4b:s16+s3], $0x80, v2, vm0, $0xb8;
	[tilespmem:$0x18100] =	vst v63  }
0x9b: {  	s23 =	simm.s32 $0x16900  }
0x9c: {  	[tilespmem:s23], [sflag:$0x3] =	stream.indirect_vreg.gather [hbm4b:s17+s3], $0x80, v2, vm0, $0xb8;
	[tilespmem:$0x18100] =	vst v63  }
0x9d: {  	s30 =	simm.s32 $0x17100  }
0x9e: {  	[tilespmem:s30], [sflag:$0x3] =	stream.indirect_vreg.gather [hbm4b:s18+s3], $0x80, v2, vm0, $0xb8;
	[tilespmem:$0x18100] =	vst v63  }
0x9f: {  	s28 =	simm.s32 $0x0;
	s22 =	rddreg [dreg:$0x8]  }
0xa0: {  	[tilespmem:s31], [sflag:$0x3] =	stream.indirect_vreg.gather [hbm4b:s19+s3], $0x80, v2, vm0, $0xb8;
	[tilespmem:$0x18100] =	vst v63  }
.LBB2_2:
0xa1: {  	_ =	swait.ge [sflag:s4], $0x8000  }
0xa2: {  	[sflag:s4] =	ssyncset.done $0x0  }
0xa3: {  	s30 =	sadd.s32 $0xFFFFE000, s22;
	[sflag:s4] =	ssyncadd.s32 $0xFFFF8000  }
0xa4: {  	[hbm4b:s30+s3] =	stream.linear.scatter [tilespmem:s25], [sflag:$0x4], $0x8000, $0x38;
	[tilespmem:$0x18100] =	vst v63  }
0xa5: {  	_ =	swait.ge [sflag:s1], $0x8000  }
0xa6: {  	[sflag:s1] =	ssyncset.done $0x0  }
0xa7: {  	s30 =	sshra.s32 s28, $0x2;
	[sflag:s1] =	ssyncadd.s32 $0xFFFF8000  }
0xa8: {  	v2 =	vld.msk [tilespmem:s30+$0x18], $0xff;
	_ =	sdelay $0x4  }
0xa9: {  	v3 =	vshll.u32 v2, $0x5  }
0xaa: {  	v2 =	vand.u32 $0x7, v2;
	v3 =	vand.u32 $0xFFFFFF00, v3  }
0xab: {  	v2 =	vor.u32 v2, v3  }
0xac: {  	v2 =	vperm.xlane v2, v0;
	_ =	sdelay $0x1  }
0xad: {  	v2 =	vadd.s32 v1, v2;
	_ =	sdelay $0x4  }
0xae: {  	[tilespmem:s25], [sflag:$0x1] =	stream.indirect_vreg.gather [hbm4b:s2+s3], $0x80, v2, vm0, $0xb8;
	[tilespmem:$0x18100] =	vst v63  }
0xaf: {  	s23 =	simm.s32 $0x900  }
0xb0: {  	[tilespmem:s23], [sflag:$0x1] =	stream.indirect_vreg.gather [hbm4b:s5+s3], $0x80, v2, vm0, $0xb8;
	[tilespmem:$0x18100] =	vst v63  }
0xb1: {  	s23 =	simm.s32 $0x1100  }
0xb2: {  	[tilespmem:s23], [sflag:$0x1] =	stream.indirect_vreg.gather [hbm4b:s6+s3], $0x80, v2, vm0, $0xb8;
	[tilespmem:$0x18100] =	vst v63  }
0xb3: {  	s23 =	simm.s32 $0x1900  }
0xb4: {  	[tilespmem:s23], [sflag:$0x1] =	stream.indirect_vreg.gather [hbm4b:s7+s3], $0x80, v2, vm0, $0xb8;
	[tilespmem:$0x18100] =	vst v63  }
0xb5: {  	s23 =	simm.s32 $0x2100  }
0xb6: {  	[tilespmem:s23], [sflag:$0x1] =	stream.indirect_vreg.gather [hbm4b:s8+s3], $0x80, v2, vm0, $0xb8;
	[tilespmem:$0x18100] =	vst v63  }
0xb7: {  	s23 =	simm.s32 $0x2900  }
0xb8: {  	[tilespmem:s23], [sflag:$0x1] =	stream.indirect_vreg.gather [hbm4b:s9+s3], $0x80, v2, vm0, $0xb8;
	[tilespmem:$0x18100] =	vst v63  }
0xb9: {  	s23 =	simm.s32 $0x3100  }
0xba: {  	[tilespmem:s23], [sflag:$0x1] =	stream.indirect_vreg.gather [hbm4b:s10+s3], $0x80, v2, vm0, $0xb8;
	[tilespmem:$0x18100] =	vst v63  }
0xbb: {  	s23 =	simm.s32 $0x3900  }
0xbc: {  	[tilespmem:s23], [sflag:$0x1] =	stream.indirect_vreg.gather [hbm4b:s11+s3], $0x80, v2, vm0, $0xb8;
	[tilespmem:$0x18100] =	vst v63  }
0xbd: {  	s23 =	simm.s32 $0x4100  }
0xbe: {  	[tilespmem:s23], [sflag:$0x1] =	stream.indirect_vreg.gather [hbm4b:s12+s3], $0x80, v2, vm0, $0xb8;
	[tilespmem:$0x18100] =	vst v63  }
0xbf: {  	s23 =	simm.s32 $0x4900  }
0xc0: {  	[tilespmem:s23], [sflag:$0x1] =	stream.indirect_vreg.gather [hbm4b:s13+s3], $0x80, v2, vm0, $0xb8;
	[tilespmem:$0x18100] =	vst v63  }
0xc1: {  	s23 =	simm.s32 $0x5100  }
0xc2: {  	[tilespmem:s23], [sflag:$0x1] =	stream.indirect_vreg.gather [hbm4b:s14+s3], $0x80, v2, vm0, $0xb8;
	[tilespmem:$0x18100] =	vst v63  }
0xc3: {  	s23 =	simm.s32 $0x5900  }
0xc4: {  	[tilespmem:s23], [sflag:$0x1] =	stream.indirect_vreg.gather [hbm4b:s15+s3], $0x80, v2, vm0, $0xb8;
	[tilespmem:$0x18100] =	vst v63  }
0xc5: {  	s23 =	simm.s32 $0x6100  }
0xc6: {  	[tilespmem:s23], [sflag:$0x1] =	stream.indirect_vreg.gather [hbm4b:s16+s3], $0x80, v2, vm0, $0xb8;
	[tilespmem:$0x18100] =	vst v63  }
0xc7: {  	s23 =	simm.s32 $0x6900  }
0xc8: {  	[tilespmem:s23], [sflag:$0x1] =	stream.indirect_vreg.gather [hbm4b:s17+s3], $0x80, v2, vm0, $0xb8;
	[tilespmem:$0x18100] =	vst v63  }
0xc9: {  	s23 =	simm.s32 $0x7100  }
0xca: {  	[tilespmem:s23], [sflag:$0x1] =	stream.indirect_vreg.gather [hbm4b:s18+s3], $0x80, v2, vm0, $0xb8;
	[tilespmem:$0x18100] =	vst v63  }
0xcb: {  	s23 =	simm.s32 $0x7900  }
0xcc: {  	[tilespmem:s23], [sflag:$0x1] =	stream.indirect_vreg.gather [hbm4b:s19+s3], $0x80, v2, vm0, $0xb8;
	[tilespmem:$0x18100] =	vst v63  }
0xcd: {  	_ =	swait.ge [sflag:s24], $0x8000  }
0xce: {  	[sflag:s24] =	ssyncset.done $0x0  }
0xcf: {  	s23 =	sadd.s32 $0xFFFFF000, s22;
	[sflag:s24] =	ssyncadd.s32 $0xFFFF8000  }
0xd0: {  	[hbm4b:s23+s3] =	stream.linear.scatter [tilespmem:s29], [sflag:$0x5], $0x8000, $0x38;
	[tilespmem:$0x18100] =	vst v63  }
0xd1: {  	_ =	swait.ge [sflag:s20], $0x8000  }
0xd2: {  	[sflag:s20] =	ssyncset.done $0x0  }
0xd3: {  	[sflag:s20] =	ssyncadd.s32 $0xFFFF8000  }
0xd4: {  	v2 =	vld.msk [tilespmem:s30+$0x20], $0xff;
	_ =	sdelay $0x4  }
0xd5: {  	v3 =	vshll.u32 v2, $0x5  }
0xd6: {  	v2 =	vand.u32 $0x7, v2;
	v3 =	vand.u32 $0xFFFFFF00, v3  }
0xd7: {  	v2 =	vor.u32 v2, v3  }
0xd8: {  	v2 =	vperm.xlane v2, v0;
	_ =	sdelay $0x1  }
0xd9: {  	v2 =	vadd.s32 v1, v2;
	_ =	sdelay $0x4  }
0xda: {  	[tilespmem:s29], [sflag:$0x2] =	stream.indirect_vreg.gather [hbm4b:s2+s3], $0x80, v2, vm0, $0xb8;
	[tilespmem:$0x18100] =	vst v63  }
0xdb: {  	s23 =	simm.s32 $0x8900  }
0xdc: {  	[tilespmem:s23], [sflag:$0x2] =	stream.indirect_vreg.gather [hbm4b:s5+s3], $0x80, v2, vm0, $0xb8;
	[tilespmem:$0x18100] =	vst v63  }
0xdd: {  	s23 =	simm.s32 $0x9100  }
0xde: {  	[tilespmem:s23], [sflag:$0x2] =	stream.indirect_vreg.gather [hbm4b:s6+s3], $0x80, v2, vm0, $0xb8;
	[tilespmem:$0x18100] =	vst v63  }
0xdf: {  	s23 =	simm.s32 $0x9900  }
0xe0: {  	[tilespmem:s23], [sflag:$0x2] =	stream.indirect_vreg.gather [hbm4b:s7+s3], $0x80, v2, vm0, $0xb8;
	[tilespmem:$0x18100] =	vst v63  }
0xe1: {  	s23 =	simm.s32 $0xA100  }
0xe2: {  	[tilespmem:s23], [sflag:$0x2] =	stream.indirect_vreg.gather [hbm4b:s8+s3], $0x80, v2, vm0, $0xb8;
	[tilespmem:$0x18100] =	vst v63  }
0xe3: {  	s23 =	simm.s32 $0xA900  }
0xe4: {  	[tilespmem:s23], [sflag:$0x2] =	stream.indirect_vreg.gather [hbm4b:s9+s3], $0x80, v2, vm0, $0xb8;
	[tilespmem:$0x18100] =	vst v63  }
0xe5: {  	s23 =	simm.s32 $0xB100  }
0xe6: {  	[tilespmem:s23], [sflag:$0x2] =	stream.indirect_vreg.gather [hbm4b:s10+s3], $0x80, v2, vm0, $0xb8;
	[tilespmem:$0x18100] =	vst v63  }
0xe7: {  	s23 =	simm.s32 $0xB900  }
0xe8: {  	[tilespmem:s23], [sflag:$0x2] =	stream.indirect_vreg.gather [hbm4b:s11+s3], $0x80, v2, vm0, $0xb8;
	[tilespmem:$0x18100] =	vst v63  }
0xe9: {  	s23 =	simm.s32 $0xC100  }
0xea: {  	[tilespmem:s23], [sflag:$0x2] =	stream.indirect_vreg.gather [hbm4b:s12+s3], $0x80, v2, vm0, $0xb8;
	[tilespmem:$0x18100] =	vst v63  }
0xeb: {  	s23 =	simm.s32 $0xC900  }
0xec: {  	[tilespmem:s23], [sflag:$0x2] =	stream.indirect_vreg.gather [hbm4b:s13+s3], $0x80, v2, vm0, $0xb8;
	[tilespmem:$0x18100] =	vst v63  }
0xed: {  	s23 =	simm.s32 $0xD100  }
0xee: {  	[tilespmem:s23], [sflag:$0x2] =	stream.indirect_vreg.gather [hbm4b:s14+s3], $0x80, v2, vm0, $0xb8;
	[tilespmem:$0x18100] =	vst v63  }
0xef: {  	s23 =	simm.s32 $0xD900  }
0xf0: {  	[tilespmem:s23], [sflag:$0x2] =	stream.indirect_vreg.gather [hbm4b:s15+s3], $0x80, v2, vm0, $0xb8;
	[tilespmem:$0x18100] =	vst v63  }
0xf1: {  	s23 =	simm.s32 $0xE100  }
0xf2: {  	[tilespmem:s23], [sflag:$0x2] =	stream.indirect_vreg.gather [hbm4b:s16+s3], $0x80, v2, vm0, $0xb8;
	[tilespmem:$0x18100] =	vst v63  }
0xf3: {  	s23 =	simm.s32 $0xE900  }
0xf4: {  	[tilespmem:s23], [sflag:$0x2] =	stream.indirect_vreg.gather [hbm4b:s17+s3], $0x80, v2, vm0, $0xb8;
	[tilespmem:$0x18100] =	vst v63  }
0xf5: {  	s23 =	simm.s32 $0xF100  }
0xf6: {  	[tilespmem:s23], [sflag:$0x2] =	stream.indirect_vreg.gather [hbm4b:s18+s3], $0x80, v2, vm0, $0xb8;
	[tilespmem:$0x18100] =	vst v63  }
0xf7: {  	p0 =	seq.s32 s28, $0x360;
	s23 =	simm.s32 $0xF900  }
0xf8: {  	[tilespmem:s23], [sflag:$0x2] =	stream.indirect_vreg.gather [hbm4b:s19+s3], $0x80, v2, vm0, $0xb8;
	[tilespmem:$0x18100] =	vst v63  }
.Ltmp2:
0xf9: {  	_ = 	snop;
	(pc) =	sbr.rel @p0 .LBB2_4-.Ltmp2, $4  }
0xfa: {  	_ =	swait.ge [sflag:s26], $0x8000  }
0xfb: {  	[sflag:s26] =	ssyncset.done $0x0  }
0xfc: {  	[sflag:s26] =	ssyncadd.s32 $0xFFFF8000  }
0xfd: {  	[hbm4b:s22+s3] =	stream.linear.scatter [tilespmem:s0], [sflag:$0x6], $0x8000, $0x38;
	[tilespmem:$0x18100] =	vst v63  }
0xfe: {  	_ =	swait.ge [sflag:s21], $0x8000  }
0xff: {  	[sflag:s21] =	ssyncset.done $0x0  }
0x100: {  	[sflag:s21] =	ssyncadd.s32 $0xFFFF8000  }
0x101: {  	v2 =	vld.msk [tilespmem:s30+$0x28], $0xff;
	_ =	sdelay $0x4  }
0x102: {  	v3 =	vshll.u32 v2, $0x5  }
0x103: {  	v2 =	vand.u32 $0x7, v2;
	v3 =	vand.u32 $0xFFFFFF00, v3  }
0x104: {  	v2 =	vor.u32 v2, v3  }
0x105: {  	v2 =	vperm.xlane v2, v0;
	_ =	sdelay $0x1  }
0x106: {  	v2 =	vadd.s32 v1, v2;
	_ =	sdelay $0x4  }
0x107: {  	[tilespmem:s0], [sflag:$0x3] =	stream.indirect_vreg.gather [hbm4b:s2+s3], $0x80, v2, vm0, $0xb8;
	[tilespmem:$0x18100] =	vst v63  }
0x108: {  	s23 =	simm.s32 $0x10900  }
0x109: {  	[tilespmem:s23], [sflag:$0x3] =	stream.indirect_vreg.gather [hbm4b:s5+s3], $0x80, v2, vm0, $0xb8;
	[tilespmem:$0x18100] =	vst v63  }
0x10a: {  	s30 =	simm.s32 $0x11100  }
0x10b: {  	[tilespmem:s30], [sflag:$0x3] =	stream.indirect_vreg.gather [hbm4b:s6+s3], $0x80, v2, vm0, $0xb8;
	[tilespmem:$0x18100] =	vst v63  }
0x10c: {  	s30 =	simm.s32 $0x11900  }
0x10d: {  	[tilespmem:s30], [sflag:$0x3] =	stream.indirect_vreg.gather [hbm4b:s7+s3], $0x80, v2, vm0, $0xb8;
	[tilespmem:$0x18100] =	vst v63  }
0x10e: {  	s30 =	simm.s32 $0x12100  }
0x10f: {  	[tilespmem:s30], [sflag:$0x3] =	stream.indirect_vreg.gather [hbm4b:s8+s3], $0x80, v2, vm0, $0xb8;
	[tilespmem:$0x18100] =	vst v63  }
0x110: {  	s30 =	simm.s32 $0x12900  }
0x111: {  	[tilespmem:s30], [sflag:$0x3] =	stream.indirect_vreg.gather [hbm4b:s9+s3], $0x80, v2, vm0, $0xb8;
	[tilespmem:$0x18100] =	vst v63  }
0x112: {  	s30 =	simm.s32 $0x13100  }
0x113: {  	[tilespmem:s30], [sflag:$0x3] =	stream.indirect_vreg.gather [hbm4b:s10+s3], $0x80, v2, vm0, $0xb8;
	[tilespmem:$0x18100] =	vst v63  }
0x114: {  	s30 =	simm.s32 $0x13900  }
0x115: {  	[tilespmem:s30], [sflag:$0x3] =	stream.indirect_vreg.gather [hbm4b:s11+s3], $0x80, v2, vm0, $0xb8;
	[tilespmem:$0x18100] =	vst v63  }
0x116: {  	s30 =	simm.s32 $0x14100  }
0x117: {  	[tilespmem:s30], [sflag:$0x3] =	stream.indirect_vreg.gather [hbm4b:s12+s3], $0x80, v2, vm0, $0xb8;
	[tilespmem:$0x18100] =	vst v63  }
0x118: {  	s30 =	simm.s32 $0x14900  }
0x119: {  	[tilespmem:s30], [sflag:$0x3] =	stream.indirect_vreg.gather [hbm4b:s13+s3], $0x80, v2, vm0, $0xb8;
	[tilespmem:$0x18100] =	vst v63  }
0x11a: {  	s30 =	simm.s32 $0x15100  }
0x11b: {  	[tilespmem:s30], [sflag:$0x3] =	stream.indirect_vreg.gather [hbm4b:s14+s3], $0x80, v2, vm0, $0xb8;
	[tilespmem:$0x18100] =	vst v63  }
0x11c: {  	s30 =	simm.s32 $0x15900  }
0x11d: {  	[tilespmem:s30], [sflag:$0x3] =	stream.indirect_vreg.gather [hbm4b:s15+s3], $0x80, v2, vm0, $0xb8;
	[tilespmem:$0x18100] =	vst v63  }
0x11e: {  	s30 =	simm.s32 $0x16100  }
0x11f: {  	[tilespmem:s30], [sflag:$0x3] =	stream.indirect_vreg.gather [hbm4b:s16+s3], $0x80, v2, vm0, $0xb8;
	[tilespmem:$0x18100] =	vst v63  }
0x120: {  	s30 =	simm.s32 $0x16900  }
0x121: {  	[tilespmem:s30], [sflag:$0x3] =	stream.indirect_vreg.gather [hbm4b:s17+s3], $0x80, v2, vm0, $0xb8;
	[tilespmem:$0x18100] =	vst v63  }
.Ltmp3:
0x122: {  	_ = 	snop;
	(pc) =	sbr.rel .LBB2_2-.Ltmp3, $4  }
0x123: {  	s30 =	simm.s32 $0x17100  }
0x124: {  	[tilespmem:s30], [sflag:$0x3] =	stream.indirect_vreg.gather [hbm4b:s18+s3], $0x80, v2, vm0, $0xb8;
	[tilespmem:$0x18100] =	vst v63  }
0x125: {  	s22 =	sadd.s32 $0x3000, s22;
	s28 =	sadd.s32 $0x60, s28  }
0x126: {  	[tilespmem:s31], [sflag:$0x3] =	stream.indirect_vreg.gather [hbm4b:s19+s3], $0x80, v2, vm0, $0xb8;
	[tilespmem:$0x18100] =	vst v63  }
.LBB2_5:
0x127: {  	_ =	sfence.sel $0x180000  }
0x128: {  	[bflag:$0x0] =	sbarrier.arrive $0xFFFF  }
0x129: {  	_ =	strace $0x90000047  }
0x12a: {  	s0 =	stileid.u32;
	[bflag:$0x2] =	sbarrier.arrive $0xFFFF  }
0x12b: {  	p0 =	sne.s32 s0, $0x0;
	s0 =	rddreg [dreg:$0x3]  }
0x12c: {  	s0 =	sadd.s32 @!p0 $0x100000, s0  }
0x12d: {  	[sflag:s0] =	ssyncadd.tile.s32 @!p0 $0x1;
	_ =	shalt  }
.Lfunc_end2:
_tile_overlayer_lowered:
.L_overlay_start_2:
0x12e: {  	(tag) =	ssettag $0x2  }
0x12f: {  	s0 =	rddreg [dreg:$0x0];
	s2 =	stileid.u32  }
0x130: {  	s1 =	rddreg [dreg:$0x1];
	p0 =	sne.s32 s2, $0x0  }
0x131: {  	s3 =	rddreg [dreg:$0x2];
	[bflag:$0x3] =	sbarrier.arrive $0xFFFF;
	s2 =	simm.s32 @!p0 $0x1C07  }
0x132: {  	[timem:s3], [sflag:s2] =	dma.local @!p0 [hbm:s0], s1  }
0x133: {  	s0 =	simm.s32 @!p0 $0x7  }
0x134: {  	_ =	swait.ge @!p0 [sflag:s0], s1  }
0x135: {  	s1 =	ssub.s32 @!p0 $0x0, s1;
	[sflag:s0] =	ssyncset.done @!p0 $0x0  }
0x136: {  	[sflag:s0] =	ssyncadd.s32 @!p0 s1  }
0x137: {  	[bflag:$0x3] =	sbarrier.arrive $0xFFFF  }
0x138: {  	_ =	shalt  }

</sc_bundles>
